<compile_context>
chip_gen: v7x
topology: tpu7x:2x2x1
jax: 0.10.2.dev20260603
libtpu: 0.0.44.dev20260713+nightly
codegen_flags: <defaults>
</compile_context>

<pallas_src>
import functools

import jax
import jax.numpy as jnp
from jax import lax
from jax.experimental import pallas as pl
from jax.experimental.pallas import tpu as pltpu
from jax.experimental.pallas import tpu_sc as plsc

NE = 8192
D = 256
NT = 8192
MB = 1024
NB = 1024
NW = 32
BPW = NT // NW
BETA = 0.25
EPS = 1e-10


def _argmin_body(x_ref, e_ref, idx_ref, min_ref):
    j = pl.program_id(1)
    xb = x_ref[...]
    eb = e_ref[...]
    x2 = jnp.sum(xb * xb, axis=1)[:, None]
    e2 = jnp.sum(eb * eb, axis=1)[None, :]
    s = lax.dot_general(xb, eb, (((1,), (1,)), ((), ())),
                        preferred_element_type=jnp.float32)
    d = (x2 + e2) - 2.0 * s
    m = jnp.min(d, axis=1, keepdims=True)
    cols = lax.broadcasted_iota(jnp.int32, d.shape, 1)
    loc = jnp.min(jnp.where(d == m, cols, NB), axis=1, keepdims=True)
    gidx = loc + j * NB

    @pl.when(j == 0)
    def _():
        min_ref[...] = m
        idx_ref[...] = gidx

    @pl.when(j != 0)
    def _():
        prev = min_ref[...]
        better = m < prev
        min_ref[...] = jnp.where(better, m, prev)
        idx_ref[...] = jnp.where(better, gidx, idx_ref[...])


_argmin_call = pl.pallas_call(
    _argmin_body,
    grid=(NT // MB, NE // NB),
    in_specs=[
        pl.BlockSpec((MB, D), lambda i, j: (i, 0)),
        pl.BlockSpec((NB, D), lambda i, j: (j, 0)),
    ],
    out_specs=[
        pl.BlockSpec((MB, 1), lambda i, j: (i, 0)),
        pl.BlockSpec((MB, 1), lambda i, j: (i, 0)),
    ],
    out_shape=[
        jax.ShapeDtypeStruct((NT, 1), jnp.int32),
        jax.ShapeDtypeStruct((NT, 1), jnp.float32),
    ],
)


def _sc_body(idx_hbm, emb_hbm, quant_hbm, pcnt_hbm, idx_v, rows_v, cnt_v, sem):
    wid = lax.axis_index("s") * 2 + lax.axis_index("c")
    base = wid * BPW
    pltpu.sync_copy(idx_hbm.at[pl.ds(base, BPW)], idx_v)
    for c in range(BPW // 128):
        pltpu.async_copy(emb_hbm.at[idx_v.at[pl.ds(c * 128, 128)]],
                         rows_v.at[pl.ds(c * 128, 128)], sem).wait()
    pltpu.sync_copy(rows_v, quant_hbm.at[pl.ds(base, BPW)])

    def zero_body(i, carry):
        cnt_v[pl.ds(i * 16, 16)] = jnp.zeros((16,), jnp.int32)
        return carry

    lax.fori_loop(0, NE // 16, zero_body, 0)

    lanes = lax.broadcasted_iota(jnp.int32, (16,), 0)
    ones = jnp.ones((16,), jnp.int32)

    def bin_body(g, carry):
        v = idx_v[pl.ds(g * 16, 16)]
        for l in range(16):
            plsc.addupdate_scatter(cnt_v, [v], ones, mask=lanes == l)
        return carry

    lax.fori_loop(0, BPW // 16, bin_body, 0)
    pltpu.sync_copy(cnt_v, pcnt_hbm.at[wid])


@functools.cache
def _sc_call():
    return pl.kernel(
        _sc_body,
        out_type=(
            jax.ShapeDtypeStruct((NT, D), jnp.float32),
            jax.ShapeDtypeStruct((NW, NE), jnp.int32),
        ),
        mesh=plsc.VectorSubcoreMesh(core_axis_name="c", subcore_axis_name="s"),
        compiler_params=pltpu.CompilerParams(needs_layout_passes=False),
        scratch_types=[
            pltpu.VMEM((BPW,), jnp.int32),
            pltpu.VMEM((BPW, D), jnp.float32),
            pltpu.VMEM((NE,), jnp.int32),
            pltpu.SemaphoreType.DMA,
        ],
    )


def _stats_body(pc_ref, mv_ref, cnt_ref, loss_ref, perp_ref):
    counts = jnp.sum(pc_ref[...], axis=0)
    cnt_ref[...] = counts
    p = counts.astype(jnp.float32) / float(NT)
    ent = jnp.sum(p * jnp.log(p + EPS))
    perp_ref[...] = jnp.full((1, 1), jnp.exp(-ent), jnp.float32)
    m = jnp.sum(mv_ref[...]) / float(NT * D)
    loss_ref[...] = jnp.full((1, 1), BETA * m + m, jnp.float32)


_stats_call = pl.pallas_call(
    _stats_body,
    out_shape=[
        jax.ShapeDtypeStruct((64, 128), jnp.int32),
        jax.ShapeDtypeStruct((1, 1), jnp.float32),
        jax.ShapeDtypeStruct((1, 1), jnp.float32),
    ],
)


@jax.jit
def kernel(x, embeddings):
    xf = x.reshape(NT, D)
    idx2d, minv = _argmin_call(xf, embeddings)
    quant, pcnt = _sc_call()(idx2d.reshape(NT), embeddings)
    counts2d, loss, perp = _stats_call(pcnt.reshape(NW, 64, 128),
                                       minv.reshape(NT // MB, MB))
    return (quant.reshape(x.shape), perp.reshape(()), loss.reshape(()),
            counts2d.reshape(NE))

# --- scband reference (transcript-rebuilt; emitter-appended) ---
"""Pipeline reference for scband-vector-quantizer-15771119911137 (READ-ONLY COPY).

The authoritative reference and input builder live on the scoring server;
editing this copy changes nothing except your own understanding.
"""

import jax, jax.numpy as jnp
import numpy as np

NUM_EMBEDDINGS = 8192
EMBEDDING_DIM = 256
BETA = 0.25
EPS = 1e-10


def setup_inputs(seed: int = 0) -> dict:
    key = jax.random.key(seed)
    k1, k2 = jax.random.split(key)
    x = jax.random.normal(k1, (8, 1024, EMBEDDING_DIM), dtype=jnp.float32)
    # learned codebook, mimics tf.random_uniform_initializer() default range [-0.05, 0.05)
    embeddings = jax.random.uniform(k2, (NUM_EMBEDDINGS, EMBEDDING_DIM), dtype=jnp.float32, minval=-0.05, maxval=0.05)
    return {"x": x, "embeddings": embeddings}


def reference(x, embeddings):
    input_shape = x.shape
    flattened = x.reshape(-1, EMBEDDING_DIM)
    # get_code_indices: squared L2 distances via expanded matmul
    similarity = flattened @ embeddings.T
    distances = (
        jnp.sum(flattened ** 2, axis=1, keepdims=True)
        + jnp.sum(embeddings ** 2, axis=1)[None, :]
        - 2.0 * similarity
    )
    encoding_indices = jnp.argmin(distances, axis=1)
    encodings = jax.nn.one_hot(encoding_indices, NUM_EMBEDDINGS, dtype=jnp.float32)
    quantized = encodings @ embeddings
    quantized = quantized.reshape(input_shape)
    # losses (computed as in original; added via add_loss there)
    commitment_loss = jnp.mean((jax.lax.stop_gradient(quantized) - x) ** 2)
    codebook_loss = jnp.mean((jax.lax.stop_gradient(x) - quantized) ** 2)
    loss = BETA * commitment_loss + codebook_loss
    # straight-through estimator
    quantized_ste = x + jax.lax.stop_gradient(quantized - x)
    # perplexity
    avg_probs = jnp.mean(encodings, axis=0)
    perplexity = jnp.exp(-jnp.sum(avg_probs * jnp.log(avg_probs + EPS)))
    # codebook usage counter (side-effect stat in original; returned here for fidelity)
    codebooks_used = jnp.bincount(encoding_indices.astype(jnp.int32), length=NUM_EMBEDDINGS).astype(jnp.int32)
    return quantized_ste, perplexity, loss, codebooks_used

if __name__ == "__main__":
    import jax
    _d = setup_inputs()
    print(jax.jit(kernel)(*tuple(_d.values())))

</pallas_src>

<mosaic_0001>
#map = affine_map<(d0, d1) -> (0)>
#map1 = affine_map<(d0, d1) -> (0, 0)>
module attributes {stable_mosaic.version = 14 : i64} {
  func.func @_sc_body(%arg0: i32, %arg1: i32, %arg2: memref<8192xi32, #tpu.memory_space<hbm>>, %arg3: memref<8192x256xf32, #tpu.memory_space<hbm>>, %arg4: memref<8192x256xf32, #tpu.memory_space<hbm>>, %arg5: memref<32x8192xi32, #tpu.memory_space<hbm>>, %arg6: memref<256xi32, #tpu.memory_space<vmem>>, %arg7: memref<256x256xf32, #tpu.memory_space<vmem>>, %arg8: memref<8192xi32, #tpu.memory_space<vmem>>, %arg9: memref<!tpu.dma_semaphore, #tpu.memory_space<semaphore_mem>>) attributes {dimension_semantics = [#tpu.dimension_semantics<core_parallel>, #tpu.dimension_semantics<subcore_parallel>], iteration_bounds = array<i64: 2, 16>, scalar_prefetch = 0 : i64, scratch_operands = 4 : i64, tpu.core_type = #tpu.core_type<sc_vector_subcore>, window_params = [{transform_indices = #map}, {transform_indices = #map1}, {transform_indices = #map1}, {transform_indices = #map1}]} {
    %mul3A = arith.constant 2 : i32
    %mul3A_0 = arith.muli %arg1, %mul3A : i32
    %add3A = arith.addi %mul3A_0, %arg0 : i32
    %mul3A_1 = arith.constant 256 : i32
    %mul3A_2 = arith.muli %add3A, %mul3A_1 : i32
    "tpu.region"() ({
      %run_scoped3A = tpu.sem_alloc : memref<!tpu.dma_semaphore, #tpu.memory_space<semaphore_mem>>
      %dma_start3A_45 = tpu.memref_slice %arg2[%mul3A_2] : memref<8192xi32, #tpu.memory_space<hbm>> -> memref<256xi32, #tpu.memory_space<hbm>>
      %dma_start3A_46 = tpu.memref_slice %arg2[%mul3A_2] : memref<8192xi32, #tpu.memory_space<hbm>> -> memref<256xi32, #tpu.memory_space<hbm>>
      tpu.enqueue_dma source(%dma_start3A_46 : memref<256xi32, #tpu.memory_space<hbm>>) target(%arg6 : memref<256xi32, #tpu.memory_space<vmem>>) target_semaphore(%run_scoped3A : memref<!tpu.dma_semaphore, #tpu.memory_space<semaphore_mem>>)
      %dma_wait3A_47 = tpu.memref_slice %arg2[%mul3A_2] : memref<8192xi32, #tpu.memory_space<hbm>> -> memref<256xi32, #tpu.memory_space<hbm>>
      %dma_wait3A_48 = tpu.memref_slice %arg2[%mul3A_2] : memref<8192xi32, #tpu.memory_space<hbm>> -> memref<256xi32, #tpu.memory_space<hbm>>
      tpu.wait_dma2 semaphore(%run_scoped3A : memref<!tpu.dma_semaphore, #tpu.memory_space<semaphore_mem>>) src(%dma_wait3A_48 : memref<256xi32, #tpu.memory_space<hbm>>) dst(%arg6 : memref<256xi32, #tpu.memory_space<vmem>>)
      tpu.yield
    }) : () -> ()
    %dma_start3A = arith.constant 0 : i32
    %dma_start3A_3 = arith.constant 0 : i32
    %dma_start3A_4 = tpu.memref_slice %arg7[%dma_start3A, %dma_start3A_3] : memref<256x256xf32, #tpu.memory_space<vmem>> -> memref<128x256xf32, #tpu.memory_space<vmem>>
    %dma_start3A_5 = arith.constant 0 : i32
    %dma_start3A_6 = tpu.memref_slice %arg6[%dma_start3A_5] : memref<256xi32, #tpu.memory_space<vmem>> -> memref<128xi32, #tpu.memory_space<vmem>>
    %dma_start3A_7 = arith.constant 0 : i32
    %dma_start3A_8 = arith.constant 0 : i32
    %dma_start3A_9 = tpu.memref_slice %arg3[%dma_start3A_7, %dma_start3A_8] : memref<8192x256xf32, #tpu.memory_space<hbm>> -> memref<8192x256xf32, #tpu.memory_space<hbm>>
    tpu.enqueue_indirect_dma source(%dma_start3A_9 : memref<8192x256xf32, #tpu.memory_space<hbm>>) target(%dma_start3A_4 : memref<128x256xf32, #tpu.memory_space<vmem>>) offsets(%dma_start3A_6 : memref<128xi32, #tpu.memory_space<vmem>>) semaphore(%arg9 : memref<!tpu.dma_semaphore, #tpu.memory_space<semaphore_mem>>)
    %dma_wait3A = arith.constant 0 : i32
    %dma_wait3A_10 = arith.constant 0 : i32
    %dma_wait3A_11 = tpu.memref_slice %arg7[%dma_wait3A, %dma_wait3A_10] : memref<256x256xf32, #tpu.memory_space<vmem>> -> memref<128x256xf32, #tpu.memory_space<vmem>>
    %dma_wait3A_12 = arith.constant 0 : i32
    %dma_wait3A_13 = tpu.memref_slice %arg6[%dma_wait3A_12] : memref<256xi32, #tpu.memory_space<vmem>> -> memref<128xi32, #tpu.memory_space<vmem>>
    %dma_wait3A_14 = arith.constant 0 : i32
    %dma_wait3A_15 = arith.constant 0 : i32
    %dma_wait3A_16 = tpu.memref_slice %arg3[%dma_wait3A_14, %dma_wait3A_15] : memref<8192x256xf32, #tpu.memory_space<hbm>> -> memref<8192x256xf32, #tpu.memory_space<hbm>>
    tpu.wait_indirect_dma semaphore(%arg9 : memref<!tpu.dma_semaphore, #tpu.memory_space<semaphore_mem>>) src(%dma_wait3A_16 : memref<8192x256xf32, #tpu.memory_space<hbm>>) dst(%dma_wait3A_11 : memref<128x256xf32, #tpu.memory_space<vmem>>)
    %dma_start3A_17 = arith.constant 128 : i32
    %dma_start3A_18 = arith.constant 0 : i32
    %dma_start3A_19 = tpu.memref_slice %arg7[%dma_start3A_17, %dma_start3A_18] : memref<256x256xf32, #tpu.memory_space<vmem>> -> memref<128x256xf32, #tpu.memory_space<vmem>>
    %dma_start3A_20 = arith.constant 128 : i32
    %dma_start3A_21 = tpu.memref_slice %arg6[%dma_start3A_20] : memref<256xi32, #tpu.memory_space<vmem>> -> memref<128xi32, #tpu.memory_space<vmem>>
    %dma_start3A_22 = arith.constant 0 : i32
    %dma_start3A_23 = arith.constant 0 : i32
    %dma_start3A_24 = tpu.memref_slice %arg3[%dma_start3A_22, %dma_start3A_23] : memref<8192x256xf32, #tpu.memory_space<hbm>> -> memref<8192x256xf32, #tpu.memory_space<hbm>>
    tpu.enqueue_indirect_dma source(%dma_start3A_24 : memref<8192x256xf32, #tpu.memory_space<hbm>>) target(%dma_start3A_19 : memref<128x256xf32, #tpu.memory_space<vmem>>) offsets(%dma_start3A_21 : memref<128xi32, #tpu.memory_space<vmem>>) semaphore(%arg9 : memref<!tpu.dma_semaphore, #tpu.memory_space<semaphore_mem>>)
    %dma_wait3A_25 = arith.constant 128 : i32
    %dma_wait3A_26 = arith.constant 0 : i32
    %dma_wait3A_27 = tpu.memref_slice %arg7[%dma_wait3A_25, %dma_wait3A_26] : memref<256x256xf32, #tpu.memory_space<vmem>> -> memref<128x256xf32, #tpu.memory_space<vmem>>
    %dma_wait3A_28 = arith.constant 128 : i32
    %dma_wait3A_29 = tpu.memref_slice %arg6[%dma_wait3A_28] : memref<256xi32, #tpu.memory_space<vmem>> -> memref<128xi32, #tpu.memory_space<vmem>>
    %dma_wait3A_30 = arith.constant 0 : i32
    %dma_wait3A_31 = arith.constant 0 : i32
    %dma_wait3A_32 = tpu.memref_slice %arg3[%dma_wait3A_30, %dma_wait3A_31] : memref<8192x256xf32, #tpu.memory_space<hbm>> -> memref<8192x256xf32, #tpu.memory_space<hbm>>
    tpu.wait_indirect_dma semaphore(%arg9 : memref<!tpu.dma_semaphore, #tpu.memory_space<semaphore_mem>>) src(%dma_wait3A_32 : memref<8192x256xf32, #tpu.memory_space<hbm>>) dst(%dma_wait3A_27 : memref<128x256xf32, #tpu.memory_space<vmem>>)
    "tpu.region"() ({
      %run_scoped3A = tpu.sem_alloc : memref<!tpu.dma_semaphore, #tpu.memory_space<semaphore_mem>>
      %dma_start3A_45 = arith.constant 0 : i32
      %dma_start3A_46 = tpu.memref_slice %arg4[%mul3A_2, %dma_start3A_45] : memref<8192x256xf32, #tpu.memory_space<hbm>> -> memref<256x256xf32, #tpu.memory_space<hbm>>
      %dma_start3A_47 = arith.constant 0 : i32
      %dma_start3A_48 = tpu.memref_slice %arg4[%mul3A_2, %dma_start3A_47] : memref<8192x256xf32, #tpu.memory_space<hbm>> -> memref<256x256xf32, #tpu.memory_space<hbm>>
      tpu.enqueue_dma source(%arg7 : memref<256x256xf32, #tpu.memory_space<vmem>>) target(%dma_start3A_48 : memref<256x256xf32, #tpu.memory_space<hbm>>) target_semaphore(%run_scoped3A : memref<!tpu.dma_semaphore, #tpu.memory_space<semaphore_mem>>)
      %dma_wait3A_49 = arith.constant 0 : i32
      %dma_wait3A_50 = tpu.memref_slice %arg4[%mul3A_2, %dma_wait3A_49] : memref<8192x256xf32, #tpu.memory_space<hbm>> -> memref<256x256xf32, #tpu.memory_space<hbm>>
      %dma_wait3A_51 = arith.constant 0 : i32
      %dma_wait3A_52 = tpu.memref_slice %arg4[%mul3A_2, %dma_wait3A_51] : memref<8192x256xf32, #tpu.memory_space<hbm>> -> memref<256x256xf32, #tpu.memory_space<hbm>>
      tpu.wait_dma2 semaphore(%run_scoped3A : memref<!tpu.dma_semaphore, #tpu.memory_space<semaphore_mem>>) src(%arg7 : memref<256x256xf32, #tpu.memory_space<vmem>>) dst(%dma_wait3A_52 : memref<256x256xf32, #tpu.memory_space<hbm>>)
      tpu.yield
    }) : () -> ()
    %scan3A = arith.constant 0 : i32
    %scan3A_33 = arith.constant 0 : i32
    %scan3A_34 = arith.constant 512 : i32
    %scan3A_35 = arith.addi %scan3A_33, %scan3A_34 : i32
    %scan3A_36 = arith.constant 1 : i32
    scf.for %scan3A_45 = %scan3A_33 to %scan3A_35 step %scan3A_36  : i32 {
      %broadcast_in_dim3A_46 = arith.constant 0 : i32
      %broadcast_in_dim3A_47 = vector.broadcast %broadcast_in_dim3A_46 : i32 to vector<16xi32>
      %mul3A_48 = arith.constant 16 : i32
      %mul3A_49 = arith.muli %scan3A_45, %mul3A_48 : i32
      %swap3A = arith.index_cast %mul3A_49 : i32 to index
      %swap3A_50 = tpu.vector_load %arg8[%swap3A] {strides = array<i32>} : memref<8192xi32, #tpu.memory_space<vmem>>, vector<16xi32>,
      tpu.vector_store %arg8[%swap3A], %broadcast_in_dim3A_47 {strides = array<i32>} : memref<8192xi32, #tpu.memory_space<vmem>>, vector<16xi32>,
    }
    %scan3A_37 = arith.constant 512 : i32
    %iota3A = tpu.iota {dimensions = array<i32: 0>} : vector<16xi32>
    %broadcast_in_dim3A = arith.constant 1 : i32
    %broadcast_in_dim3A_38 = vector.broadcast %broadcast_in_dim3A : i32 to vector<16xi32>
    %scan3A_39 = arith.constant 0 : i32
    %scan3A_40 = arith.constant 0 : i32
    %scan3A_41 = arith.constant 16 : i32
    %scan3A_42 = arith.addi %scan3A_40, %scan3A_41 : i32
    %scan3A_43 = arith.constant 1 : i32
    scf.for %scan3A_45 = %scan3A_40 to %scan3A_42 step %scan3A_43  : i32 {
      %mul3A_46 = arith.constant 16 : i32
      %mul3A_47 = arith.muli %scan3A_45, %mul3A_46 : i32
      %get3A = arith.index_cast %mul3A_47 : i32 to index
      %get3A_48 = tpu.vector_load %arg6[%get3A] {strides = array<i32>} : memref<256xi32, #tpu.memory_space<vmem>>, vector<16xi32>,
      %eq3A = arith.constant 0 : i32
      %eq3A_49 = vector.broadcast %eq3A : i32 to vector<16xi32>
      %eq3A_50 = arith.cmpi eq, %iota3A, %eq3A_49 : vector<16xi32>
      tpu.vector_store_idx %arg8[%get3A_48], %broadcast_in_dim3A_38 masked %eq3A_50 {add = true} : memref<8192xi32, #tpu.memory_space<vmem>>[vector<16xi32>], vector<16xi32>, vector<16xi1>
      %eq3A_51 = arith.constant 1 : i32
      %eq3A_52 = vector.broadcast %eq3A_51 : i32 to vector<16xi32>
      %eq3A_53 = arith.cmpi eq, %iota3A, %eq3A_52 : vector<16xi32>
      tpu.vector_store_idx %arg8[%get3A_48], %broadcast_in_dim3A_38 masked %eq3A_53 {add = true} : memref<8192xi32, #tpu.memory_space<vmem>>[vector<16xi32>], vector<16xi32>, vector<16xi1>
      %eq3A_54 = arith.constant 2 : i32
      %eq3A_55 = vector.broadcast %eq3A_54 : i32 to vector<16xi32>
      %eq3A_56 = arith.cmpi eq, %iota3A, %eq3A_55 : vector<16xi32>
      tpu.vector_store_idx %arg8[%get3A_48], %broadcast_in_dim3A_38 masked %eq3A_56 {add = true} : memref<8192xi32, #tpu.memory_space<vmem>>[vector<16xi32>], vector<16xi32>, vector<16xi1>
      %eq3A_57 = arith.constant 3 : i32
      %eq3A_58 = vector.broadcast %eq3A_57 : i32 to vector<16xi32>
      %eq3A_59 = arith.cmpi eq, %iota3A, %eq3A_58 : vector<16xi32>
      tpu.vector_store_idx %arg8[%get3A_48], %broadcast_in_dim3A_38 masked %eq3A_59 {add = true} : memref<8192xi32, #tpu.memory_space<vmem>>[vector<16xi32>], vector<16xi32>, vector<16xi1>
      %eq3A_60 = arith.constant 4 : i32
      %eq3A_61 = vector.broadcast %eq3A_60 : i32 to vector<16xi32>
      %eq3A_62 = arith.cmpi eq, %iota3A, %eq3A_61 : vector<16xi32>
      tpu.vector_store_idx %arg8[%get3A_48], %broadcast_in_dim3A_38 masked %eq3A_62 {add = true} : memref<8192xi32, #tpu.memory_space<vmem>>[vector<16xi32>], vector<16xi32>, vector<16xi1>
      %eq3A_63 = arith.constant 5 : i32
      %eq3A_64 = vector.broadcast %eq3A_63 : i32 to vector<16xi32>
      %eq3A_65 = arith.cmpi eq, %iota3A, %eq3A_64 : vector<16xi32>
      tpu.vector_store_idx %arg8[%get3A_48], %broadcast_in_dim3A_38 masked %eq3A_65 {add = true} : memref<8192xi32, #tpu.memory_space<vmem>>[vector<16xi32>], vector<16xi32>, vector<16xi1>
      %eq3A_66 = arith.constant 6 : i32
      %eq3A_67 = vector.broadcast %eq3A_66 : i32 to vector<16xi32>
      %eq3A_68 = arith.cmpi eq, %iota3A, %eq3A_67 : vector<16xi32>
      tpu.vector_store_idx %arg8[%get3A_48], %broadcast_in_dim3A_38 masked %eq3A_68 {add = true} : memref<8192xi32, #tpu.memory_space<vmem>>[vector<16xi32>], vector<16xi32>, vector<16xi1>
      %eq3A_69 = arith.constant 7 : i32
      %eq3A_70 = vector.broadcast %eq3A_69 : i32 to vector<16xi32>
      %eq3A_71 = arith.cmpi eq, %iota3A, %eq3A_70 : vector<16xi32>
      tpu.vector_store_idx %arg8[%get3A_48], %broadcast_in_dim3A_38 masked %eq3A_71 {add = true} : memref<8192xi32, #tpu.memory_space<vmem>>[vector<16xi32>], vector<16xi32>, vector<16xi1>
      %eq3A_72 = arith.constant 8 : i32
      %eq3A_73 = vector.broadcast %eq3A_72 : i32 to vector<16xi32>
      %eq3A_74 = arith.cmpi eq, %iota3A, %eq3A_73 : vector<16xi32>
      tpu.vector_store_idx %arg8[%get3A_48], %broadcast_in_dim3A_38 masked %eq3A_74 {add = true} : memref<8192xi32, #tpu.memory_space<vmem>>[vector<16xi32>], vector<16xi32>, vector<16xi1>
      %eq3A_75 = arith.constant 9 : i32
      %eq3A_76 = vector.broadcast %eq3A_75 : i32 to vector<16xi32>
      %eq3A_77 = arith.cmpi eq, %iota3A, %eq3A_76 : vector<16xi32>
      tpu.vector_store_idx %arg8[%get3A_48], %broadcast_in_dim3A_38 masked %eq3A_77 {add = true} : memref<8192xi32, #tpu.memory_space<vmem>>[vector<16xi32>], vector<16xi32>, vector<16xi1>
      %eq3A_78 = arith.constant 10 : i32
      %eq3A_79 = vector.broadcast %eq3A_78 : i32 to vector<16xi32>
      %eq3A_80 = arith.cmpi eq, %iota3A, %eq3A_79 : vector<16xi32>
      tpu.vector_store_idx %arg8[%get3A_48], %broadcast_in_dim3A_38 masked %eq3A_80 {add = true} : memref<8192xi32, #tpu.memory_space<vmem>>[vector<16xi32>], vector<16xi32>, vector<16xi1>
      %eq3A_81 = arith.constant 11 : i32
      %eq3A_82 = vector.broadcast %eq3A_81 : i32 to vector<16xi32>
      %eq3A_83 = arith.cmpi eq, %iota3A, %eq3A_82 : vector<16xi32>
      tpu.vector_store_idx %arg8[%get3A_48], %broadcast_in_dim3A_38 masked %eq3A_83 {add = true} : memref<8192xi32, #tpu.memory_space<vmem>>[vector<16xi32>], vector<16xi32>, vector<16xi1>
      %eq3A_84 = arith.constant 12 : i32
      %eq3A_85 = vector.broadcast %eq3A_84 : i32 to vector<16xi32>
      %eq3A_86 = arith.cmpi eq, %iota3A, %eq3A_85 : vector<16xi32>
      tpu.vector_store_idx %arg8[%get3A_48], %broadcast_in_dim3A_38 masked %eq3A_86 {add = true} : memref<8192xi32, #tpu.memory_space<vmem>>[vector<16xi32>], vector<16xi32>, vector<16xi1>
      %eq3A_87 = arith.constant 13 : i32
      %eq3A_88 = vector.broadcast %eq3A_87 : i32 to vector<16xi32>
      %eq3A_89 = arith.cmpi eq, %iota3A, %eq3A_88 : vector<16xi32>
      tpu.vector_store_idx %arg8[%get3A_48], %broadcast_in_dim3A_38 masked %eq3A_89 {add = true} : memref<8192xi32, #tpu.memory_space<vmem>>[vector<16xi32>], vector<16xi32>, vector<16xi1>
      %eq3A_90 = arith.constant 14 : i32
      %eq3A_91 = vector.broadcast %eq3A_90 : i32 to vector<16xi32>
      %eq3A_92 = arith.cmpi eq, %iota3A, %eq3A_91 : vector<16xi32>
      tpu.vector_store_idx %arg8[%get3A_48], %broadcast_in_dim3A_38 masked %eq3A_92 {add = true} : memref<8192xi32, #tpu.memory_space<vmem>>[vector<16xi32>], vector<16xi32>, vector<16xi1>
      %eq3A_93 = arith.constant 15 : i32
      %eq3A_94 = vector.broadcast %eq3A_93 : i32 to vector<16xi32>
      %eq3A_95 = arith.cmpi eq, %iota3A, %eq3A_94 : vector<16xi32>
      tpu.vector_store_idx %arg8[%get3A_48], %broadcast_in_dim3A_38 masked %eq3A_95 {add = true} : memref<8192xi32, #tpu.memory_space<vmem>>[vector<16xi32>], vector<16xi32>, vector<16xi1>
    }
    %scan3A_44 = arith.constant 16 : i32
    "tpu.region"() ({
      %run_scoped3A = tpu.sem_alloc : memref<!tpu.dma_semaphore, #tpu.memory_space<semaphore_mem>>
      %dma_start3A_45 = arith.constant 0 : i32
      %dma_start3A_46 = tpu.memref_slice %arg5[%add3A, %dma_start3A_45] : memref<32x8192xi32, #tpu.memory_space<hbm>> -> memref<1x8192xi32, #tpu.memory_space<hbm>>
      %dma_start3A_47 = tpu.memref_squeeze %dma_start3A_46 : memref<1x8192xi32, #tpu.memory_space<hbm>> -> memref<8192xi32, #tpu.memory_space<hbm>>
      %dma_start3A_48 = arith.constant 0 : i32
      %dma_start3A_49 = tpu.memref_slice %arg5[%add3A, %dma_start3A_48] : memref<32x8192xi32, #tpu.memory_space<hbm>> -> memref<1x8192xi32, #tpu.memory_space<hbm>>
      %dma_start3A_50 = tpu.memref_squeeze %dma_start3A_49 : memref<1x8192xi32, #tpu.memory_space<hbm>> -> memref<8192xi32, #tpu.memory_space<hbm>>
      tpu.enqueue_dma source(%arg8 : memref<8192xi32, #tpu.memory_space<vmem>>) target(%dma_start3A_50 : memref<8192xi32, #tpu.memory_space<hbm>>) target_semaphore(%run_scoped3A : memref<!tpu.dma_semaphore, #tpu.memory_space<semaphore_mem>>)
      %dma_wait3A_51 = arith.constant 0 : i32
      %dma_wait3A_52 = tpu.memref_slice %arg5[%add3A, %dma_wait3A_51] : memref<32x8192xi32, #tpu.memory_space<hbm>> -> memref<1x8192xi32, #tpu.memory_space<hbm>>
      %dma_wait3A_53 = tpu.memref_squeeze %dma_wait3A_52 : memref<1x8192xi32, #tpu.memory_space<hbm>> -> memref<8192xi32, #tpu.memory_space<hbm>>
      %dma_wait3A_54 = arith.constant 0 : i32
      %dma_wait3A_55 = tpu.memref_slice %arg5[%add3A, %dma_wait3A_54] : memref<32x8192xi32, #tpu.memory_space<hbm>> -> memref<1x8192xi32, #tpu.memory_space<hbm>>
      %dma_wait3A_56 = tpu.memref_squeeze %dma_wait3A_55 : memref<1x8192xi32, #tpu.memory_space<hbm>> -> memref<8192xi32, #tpu.memory_space<hbm>>
      tpu.wait_dma2 semaphore(%run_scoped3A : memref<!tpu.dma_semaphore, #tpu.memory_space<semaphore_mem>>) src(%arg8 : memref<8192xi32, #tpu.memory_space<vmem>>) dst(%dma_wait3A_56 : memref<8192xi32, #tpu.memory_space<hbm>>)
      tpu.yield
    }) : () -> ()
    return
  }
}

module attributes {stable_mosaic.version = 14 : i64} {
  func.func @_argmin_body(%arg0: i32, %arg1: i32, %arg2: memref<1024x256xf32, #tpu.memory_space<vmem>>, %arg3: memref<1024x256xf32, #tpu.memory_space<vmem>>, %arg4: memref<1024x1xi32, #tpu.memory_space<vmem>>, %arg5: memref<1024x1xf32, #tpu.memory_space<vmem>>) attributes {dimension_semantics = [#tpu.dimension_semantics<arbitrary>, #tpu.dimension_semantics<arbitrary>], iteration_bounds = array<i64: 8, 8>, scalar_prefetch = 0 : i64, scratch_operands = 0 : i64, tpu.core_type = #tpu.core_type<tc>, window_params = [{transform_indices = @transform_0, window_bounds = array<i64: 1024, 256>}, {transform_indices = @transform_1, window_bounds = array<i64: 1024, 256>}, {transform_indices = @transform_2, window_bounds = array<i64: 1024, 1>}, {transform_indices = @transform_3, window_bounds = array<i64: 1024, 1>}]} {
    %get3A = arith.constant 0 : index
    %get3A_0 = arith.constant 0 : index
    %get3A_1 = vector.load %arg2[%get3A, %get3A_0] : memref<1024x256xf32, #tpu.memory_space<vmem>>, vector<1024x256xf32>
    %get3A_2 = arith.constant 0 : index
    %get3A_3 = arith.constant 0 : index
    %get3A_4 = vector.load %arg3[%get3A_2, %get3A_3] : memref<1024x256xf32, #tpu.memory_space<vmem>>, vector<1024x256xf32>
    %mul3A = arith.mulf %get3A_1, %get3A_1 : vector<1024x256xf32>
    %reduce_sum3A = arith.constant dense<0.000000e+00> : vector<1024xf32>
    %reduce_sum3A_5 = vector.multi_reduction <add>, %mul3A, %reduce_sum3A [1] : vector<1024x256xf32> to vector<1024xf32>
    %broadcast_in_dim3A = vector.shape_cast %reduce_sum3A_5 : vector<1024xf32> to vector<1024x1xf32>
    %mul3A_6 = arith.mulf %get3A_4, %get3A_4 : vector<1024x256xf32>
    %reduce_sum3A_7 = arith.constant dense<0.000000e+00> : vector<1024xf32>
    %reduce_sum3A_8 = vector.multi_reduction <add>, %mul3A_6, %reduce_sum3A_7 [1] : vector<1024x256xf32> to vector<1024xf32>
    %broadcast_in_dim3A_9 = vector.shape_cast %reduce_sum3A_8 : vector<1024xf32> to vector<1x1024xf32>
    %dot_general3A = arith.constant dense<0.000000e+00> : vector<1024x1024xf32>
    %dot_general3A_10 = tpu.matmul %get3A_1, %get3A_4, %dot_general3A {dimension_numbers = #tpu.dot_dimension_numbers<[1], [1], [0], [0], [0, 0, 1, 0], [], []>, transpose_lhs_hint = false} : vector<1024x256xf32>, vector<1024x256xf32>, vector<1024x1024xf32> -> vector<1024x1024xf32>
    %add3A = vector.broadcast %broadcast_in_dim3A : vector<1024x1xf32> to vector<1024x1024xf32>
    %add3A_11 = vector.broadcast %broadcast_in_dim3A_9 : vector<1x1024xf32> to vector<1024x1024xf32>
    %add3A_12 = arith.addf %add3A, %add3A_11 : vector<1024x1024xf32>
    %mul3A_13 = arith.constant 2.000000e+00 : f32
    %mul3A_14 = vector.broadcast %mul3A_13 : f32 to vector<1024x1024xf32>
    %mul3A_15 = arith.mulf %mul3A_14, %dot_general3A_10 : vector<1024x1024xf32>
    %sub3A = arith.subf %add3A_12, %mul3A_15 : vector<1024x1024xf32>
    %reduce_min3A = arith.constant dense<0x7F800000> : vector<1024xf32>
    %reduce_min3A_16 = vector.multi_reduction <minimumf>, %sub3A, %reduce_min3A [1] : vector<1024x1024xf32> to vector<1024xf32>
    %broadcast_in_dim3A_17 = vector.shape_cast %reduce_min3A_16 : vector<1024xf32> to vector<1024x1xf32>
    %iota3A = tpu.iota {dimensions = array<i32: 1>} : vector<1024x1024xi32>
    %eq3A = vector.broadcast %broadcast_in_dim3A_17 : vector<1024x1xf32> to vector<1024x1024xf32>
    %eq3A_18 = arith.cmpf oeq, %sub3A, %eq3A : vector<1024x1024xf32>
    %jit3A = arith.constant 1024 : i32
    %broadcast_in_dim3A_19 = vector.broadcast %jit3A : i32 to vector<1024x1024xi32>
    %select_n3A = arith.select %eq3A_18, %iota3A, %broadcast_in_dim3A_19 : vector<1024x1024xi1>, vector<1024x1024xi32>
    %reduce_min3A_20 = arith.constant dense<2147483647> : vector<1024xi32>
    %reduce_min3A_21 = vector.multi_reduction <minsi>, %select_n3A, %reduce_min3A_20 [1] : vector<1024x1024xi32> to vector<1024xi32>
    %broadcast_in_dim3A_22 = vector.shape_cast %reduce_min3A_21 : vector<1024xi32> to vector<1024x1xi32>
    %mul3A_23 = arith.constant 1024 : i32
    %mul3A_24 = arith.muli %arg1, %mul3A_23 : i32
    %add3A_25 = vector.broadcast %mul3A_24 : i32 to vector<1024x1xi32>
    %add3A_26 = arith.addi %broadcast_in_dim3A_22, %add3A_25 : vector<1024x1xi32>
    %eq3A_27 = arith.constant 0 : i32
    %eq3A_28 = arith.cmpi eq, %arg1, %eq3A_27 : i32
    %convert_element_type3A = arith.extui %eq3A_28 : i1 to i32
    %cond3A = arith.constant 0 : i32
    %cond3A_29 = arith.cmpi ne, %convert_element_type3A, %cond3A : i32
    scf.if %cond3A_29 {
      %swap3A = arith.constant 0 : index
      %swap3A_34 = arith.constant 0 : index
      %swap3A_35 = vector.load %arg5[%swap3A, %swap3A_34] : memref<1024x1xf32, #tpu.memory_space<vmem>>, vector<1024x1xf32>
      tpu.vector_store %arg5[%swap3A, %swap3A_34], %broadcast_in_dim3A_17 {strides = array<i32>} : memref<1024x1xf32, #tpu.memory_space<vmem>>, vector<1024x1xf32>,
      %swap3A_36 = arith.constant 0 : index
      %swap3A_37 = arith.constant 0 : index
      %swap3A_38 = vector.load %arg4[%swap3A_36, %swap3A_37] : memref<1024x1xi32, #tpu.memory_space<vmem>>, vector<1024x1xi32>
      tpu.vector_store %arg4[%swap3A_36, %swap3A_37], %add3A_26 {strides = array<i32>} : memref<1024x1xi32, #tpu.memory_space<vmem>>, vector<1024x1xi32>,
    } else {
    }
    %ne3A = arith.constant 0 : i32
    %ne3A_30 = arith.cmpi ne, %arg1, %ne3A : i32
    %convert_element_type3A_31 = arith.extui %ne3A_30 : i1 to i32
    %cond3A_32 = arith.constant 0 : i32
    %cond3A_33 = arith.cmpi ne, %convert_element_type3A_31, %cond3A_32 : i32
    scf.if %cond3A_33 {
      %get3A_34 = arith.constant 0 : index
      %get3A_35 = arith.constant 0 : index
      %get3A_36 = vector.load %arg5[%get3A_34, %get3A_35] : memref<1024x1xf32, #tpu.memory_space<vmem>>, vector<1024x1xf32>
      %lt3A = arith.cmpf olt, %broadcast_in_dim3A_17, %get3A_36 : vector<1024x1xf32>
      %select_n3A_37 = arith.select %lt3A, %broadcast_in_dim3A_17, %get3A_36 : vector<1024x1xi1>, vector<1024x1xf32>
      %swap3A = arith.constant 0 : index
      %swap3A_38 = arith.constant 0 : index
      %swap3A_39 = vector.load %arg5[%swap3A, %swap3A_38] : memref<1024x1xf32, #tpu.memory_space<vmem>>, vector<1024x1xf32>
      tpu.vector_store %arg5[%swap3A, %swap3A_38], %select_n3A_37 {strides = array<i32>} : memref<1024x1xf32, #tpu.memory_space<vmem>>, vector<1024x1xf32>,
      %get3A_40 = arith.constant 0 : index
      %get3A_41 = arith.constant 0 : index
      %get3A_42 = vector.load %arg4[%get3A_40, %get3A_41] : memref<1024x1xi32, #tpu.memory_space<vmem>>, vector<1024x1xi32>
      %select_n3A_43 = arith.select %lt3A, %add3A_26, %get3A_42 : vector<1024x1xi1>, vector<1024x1xi32>
      %swap3A_44 = arith.constant 0 : index
      %swap3A_45 = arith.constant 0 : index
      %swap3A_46 = vector.load %arg4[%swap3A_44, %swap3A_45] : memref<1024x1xi32, #tpu.memory_space<vmem>>, vector<1024x1xi32>
      tpu.vector_store %arg4[%swap3A_44, %swap3A_45], %select_n3A_43 {strides = array<i32>} : memref<1024x1xi32, #tpu.memory_space<vmem>>, vector<1024x1xi32>,
    } else {
    }
    return
  }
  func.func @transform_0(%arg0: i32, %arg1: i32) -> (i32, i32) {
    %c0_i32 = arith.constant 0 : i32
    %c0_i32_0 = arith.constant 0 : i32
    return %arg0, %c0_i32 : i32, i32
  }
  func.func @transform_1(%arg0: i32, %arg1: i32) -> (i32, i32) {
    %c0_i32 = arith.constant 0 : i32
    %c0_i32_0 = arith.constant 0 : i32
    return %arg1, %c0_i32 : i32, i32
  }
  func.func @transform_2(%arg0: i32, %arg1: i32) -> (i32, i32) {
    %c0_i32 = arith.constant 0 : i32
    %c0_i32_0 = arith.constant 0 : i32
    return %arg0, %c0_i32 : i32, i32
  }
  func.func @transform_3(%arg0: i32, %arg1: i32) -> (i32, i32) {
    %c0_i32 = arith.constant 0 : i32
    %c0_i32_0 = arith.constant 0 : i32
    return %arg0, %c0_i32 : i32, i32
  }
}

module attributes {stable_mosaic.version = 14 : i64} {
  func.func @_stats_body(%arg0: memref<32x64x128xi32, #tpu.memory_space<vmem>>, %arg1: memref<8x1024xf32, #tpu.memory_space<vmem>>, %arg2: memref<64x128xi32, #tpu.memory_space<vmem>>, %arg3: memref<1x1xf32, #tpu.memory_space<vmem>>, %arg4: memref<1x1xf32, #tpu.memory_space<vmem>>) attributes {dimension_semantics = [], scalar_prefetch = 0 : i64, scratch_operands = 0 : i64, tpu.core_type = #tpu.core_type<tc>} {
    %get3A = arith.constant 0 : index
    %get3A_0 = arith.constant 0 : index
    %get3A_1 = arith.constant 0 : index
    %get3A_2 = vector.load %arg0[%get3A, %get3A_0, %get3A_1] : memref<32x64x128xi32, #tpu.memory_space<vmem>>, vector<32x64x128xi32>
    %reduce_sum3A = arith.constant dense<0> : vector<64x128xi32>
    %reduce_sum3A_3 = vector.multi_reduction <add>, %get3A_2, %reduce_sum3A [0] : vector<32x64x128xi32> to vector<64x128xi32>
    %swap3A = arith.constant 0 : index
    %swap3A_4 = arith.constant 0 : index
    %swap3A_5 = vector.load %arg2[%swap3A, %swap3A_4] : memref<64x128xi32, #tpu.memory_space<vmem>>, vector<64x128xi32>
    tpu.vector_store %arg2[%swap3A, %swap3A_4], %reduce_sum3A_3 {strides = array<i32>} : memref<64x128xi32, #tpu.memory_space<vmem>>, vector<64x128xi32>,
    %convert_element_type3A = arith.sitofp %reduce_sum3A_3 : vector<64x128xi32> to vector<64x128xf32>
    %div3A = arith.constant 8.192000e+03 : f32
    %div3A_6 = vector.broadcast %div3A : f32 to vector<64x128xf32>
    %div3A_7 = arith.divf %convert_element_type3A, %div3A_6 : vector<64x128xf32>
    %add3A = arith.constant 1.000000e-10 : f32
    %add3A_8 = vector.broadcast %add3A : f32 to vector<64x128xf32>
    %add3A_9 = arith.addf %div3A_7, %add3A_8 : vector<64x128xf32>
    %log3A = math.log %add3A_9 : vector<64x128xf32>
    %mul3A = arith.mulf %div3A_7, %log3A : vector<64x128xf32>
    %reduce_sum3A_10 = vector.shape_cast %mul3A : vector<64x128xf32> to vector<1x64x128xf32>
    %reduce_sum3A_11 = arith.constant dense<0.000000e+00> : vector<1xf32>
    %reduce_sum3A_12 = vector.multi_reduction <add>, %reduce_sum3A_10, %reduce_sum3A_11 [1, 2] : vector<1x64x128xf32> to vector<1xf32>
    %reduce_sum3A_13 = vector.shape_cast %reduce_sum3A_12 : vector<1xf32> to vector<1x1x1xf32>
    %reduce_sum3A_14 = vector.extract %reduce_sum3A_13[0, 0, 0] : f32 from vector<1x1x1xf32>
    %neg3A = arith.constant 0.000000e+00 : f32
    %neg3A_15 = arith.subf %neg3A, %reduce_sum3A_14 : f32
    %exp3A = math.exp %neg3A_15 : f32
    %broadcast_in_dim3A = vector.broadcast %exp3A : f32 to vector<1x1xf32>
    %swap3A_16 = arith.constant 0 : index
    %swap3A_17 = arith.constant 0 : index
    %swap3A_18 = vector.load %arg4[%swap3A_16, %swap3A_17] : memref<1x1xf32, #tpu.memory_space<vmem>>, vector<1x1xf32>
    tpu.vector_store %arg4[%swap3A_16, %swap3A_17], %broadcast_in_dim3A {strides = array<i32>} : memref<1x1xf32, #tpu.memory_space<vmem>>, vector<1x1xf32>,
    %get3A_19 = arith.constant 0 : index
    %get3A_20 = arith.constant 0 : index
    %get3A_21 = vector.load %arg1[%get3A_19, %get3A_20] : memref<8x1024xf32, #tpu.memory_space<vmem>>, vector<8x1024xf32>
    %reduce_sum3A_22 = vector.shape_cast %get3A_21 : vector<8x1024xf32> to vector<1x8x1024xf32>
    %reduce_sum3A_23 = arith.constant dense<0.000000e+00> : vector<1xf32>
    %reduce_sum3A_24 = vector.multi_reduction <add>, %reduce_sum3A_22, %reduce_sum3A_23 [1, 2] : vector<1x8x1024xf32> to vector<1xf32>
    %reduce_sum3A_25 = vector.shape_cast %reduce_sum3A_24 : vector<1xf32> to vector<1x1x1xf32>
    %reduce_sum3A_26 = vector.extract %reduce_sum3A_25[0, 0, 0] : f32 from vector<1x1x1xf32>
    %div3A_27 = arith.constant 0x4A000000 : f32
    %div3A_28 = arith.divf %reduce_sum3A_26, %div3A_27 : f32
    %mul3A_29 = arith.constant 2.500000e-01 : f32
    %mul3A_30 = arith.mulf %mul3A_29, %div3A_28 : f32
    %add3A_31 = arith.addf %mul3A_30, %div3A_28 : f32
    %broadcast_in_dim3A_32 = vector.broadcast %add3A_31 : f32 to vector<1x1xf32>
    %swap3A_33 = arith.constant 0 : index
    %swap3A_34 = arith.constant 0 : index
    %swap3A_35 = vector.load %arg3[%swap3A_33, %swap3A_34] : memref<1x1xf32, #tpu.memory_space<vmem>>, vector<1x1xf32>
    tpu.vector_store %arg3[%swap3A_33, %swap3A_34], %broadcast_in_dim3A_32 {strides = array<i32>} : memref<1x1xf32, #tpu.memory_space<vmem>>, vector<1x1xf32>,
    return
  }
}

</mosaic_0001>

<sc_bundles>
// kernel: kernel.5.cloned.1.call-start
scs
__scs_entry_jumppad:
0x0: {  	(pc) =	sbr.rel $0x88, $3  }
0x1: {  	(tag) =	ssettag $0x0;
	lr =	simm.s32 $0x1  }
0x2: {  	[smem:$0x3F9F] =	sst lr;
	_ =	strace $0xD0000000  }
0x3: {  	_ = 	snop  }
0x4: {  	_ = 	snop  }
0x5: {  	_ = 	snop  }
0x6: {  	_ = 	snop  }
0x7: {  	_ = 	snop  }
__scs_overlays_trampoline_lowered:
0x8: {  	[smem:$0x3FAE] =	sst s0  }
0x9: {  	[smem:$0x3FAF] =	sst s1  }
0xa: {  	[smem:$0x3FB0] =	sst s2  }
0xb: {  	[smem:$0x3FB1] =	sst s3  }
0xc: {  	[smem:$0x3FB2] =	sst s4  }
0xd: {  	[smem:$0x3FB3] =	sst s5  }
0xe: {  	[smem:$0x3FB4] =	sst s6  }
0xf: {  	[smem:$0x3FB5] =	sst s7  }
0x10: {  	[smem:$0x3FB6] =	sst s8  }
0x11: {  	[smem:$0x3FB7] =	sst s9;
	s0 =	simm.s32 @!p0 $0x0  }
0x12: {  	s1 =	sld [smem:$0x3F9D];
	s0 =	simm.s32 @p0 $0x1  }
0x13: {  	[smem:$0x3FB8] =	sst s0;
	s0 =	simm.s32 @!p1 $0x0  }
0x14: {  	s2 =	sld [smem:$0x3F9C];
	s0 =	simm.s32 @p1 $0x1  }
0x15: {  	[smem:$0x3FB9] =	sst s0;
	s0 =	simm.s32 @!p2 $0x0  }
0x16: {  	s3 =	sld [smem:$0x3FDB];
	s0 =	simm.s32 @p2 $0x1  }
0x17: {  	s4 =	simm.s32 $0x1BF5;
	[smem:$0x3FBB] =	sst s0  }
0x18: {  	s0 =	sld [smem:$0x3F9E];
	_ =	swait.ge [sflag:s4], $0x0  }
0x19: {  	s7 =	sld [smem:$0x3F9F]  }
0x1a: {  	s8 =	sadd.s32 $0xFFFFE003, lr  }
0x1b: {  	s9 =	sadd.s32 $0xFFFFFEF7, lr;
	s5 =	simm.s32 $0xFFFFFFFF;
	p2 =	slt.u32 s8, $0xFFFFF086  }
0x1c: {  	p1 =	slt.u32 s9, $0xF7A;
	s5 =	simm.s32 @!p2 $0x0  }
0x1d: {  	s5 =	simm.s32 @p1 $0x1;
	p0 =	seq.s32 s7, s2  }
0x1e: {  	s7 =	smul.u32 @!p0 $0xF7A, s2;
	p2 =	seq.s32 @!p0 s5, $0x0  }
0x1f: {  	s9 =	smul.u32 $0xF7A, s1;
	s8 =	simm.s32 @!p0 $0x1BF5;
	p2 =	por !p2, p0  }
0x20: {  	[sflag:s8] =	ssyncset.s32 @!p0 $0xFFFFF086;
	s6 =	sadd.s32 @!p0 s3, s7;
	s7 =	simm.s32 @!p0 $0x108  }
0x21: {  	s3 =	sadd.s32 s3, s9;
	s6 =	sadd.s32 @!p0 $0x88, s6;
	s7 =	simm.s32 @p2 $0x1082  }
0x22: {  	[simem:s7], [sflag:s8] =	dma.local @!p0 [hbm:s6], $0xF7A  }
0x23: {  	s9 =	sor.u32 $0xD0000000, s2;
	s6 =	simm.s32 $0x108;
	_ =	swait.ge @!p0 [sflag:s8], $0x0  }
0x24: {  	s3 =	sadd.s32 $0x88, s3;
	s6 =	simm.s32 @!p1 $0x1082;
	[sflag:s4] =	ssyncset.s32 $0xFFFFF086  }
0x25: {  	[simem:s6], [sflag:s4] =	dma.local [hbm:s3], $0xF7A  }
0x26: {  	[smem:$0x3F9F] =	sst s1;
	(tag) =	ssettag s2;
	_ =	strace s9  }
0x27: {  	s1 =	sld [smem:$0x3FAF]  }
0x28: {  	s2 =	sld [smem:$0x3FB0]  }
0x29: {  	s4 =	sld [smem:$0x3FB2]  }
0x2a: {  	p0 =	seq.s32 s5, $0x0;
	s5 =	sld [smem:$0x3FB3]  }
0x2b: {  	s6 =	sld [smem:$0x3FB4]  }
0x2c: {  	s7 =	sld [smem:$0x3FB5]  }
0x2d: {  	s3 =	simm.s32 $0x108;
	s8 =	sld [smem:$0x3FB6]  }
0x2e: {  	s3 =	simm.s32 @!p0 $0x1082;
	s9 =	sld [smem:$0x3FB7]  }
0x2f: {  	lr =	sadd.s32 s0, s3;
	s0 =	sld [smem:$0x3FAE]  }
0x30: {  	s3 =	sld [smem:$0x3FB1]  }
0x31: {  	[smem:$0x3FBA] =	sst s10  }
0x32: {  	s10 =	sld [smem:$0x3FB8];
	_ =	sdelay $0x3  }
0x33: {  	p0 =	seq.s32 s10, $0x1;
	s10 =	sld [smem:$0x3FBA];
	_ =	sdelay $0x3  }
0x34: {  	[smem:$0x3FBA] =	sst s10  }
0x35: {  	s10 =	sld [smem:$0x3FB9];
	_ =	sdelay $0x3  }
0x36: {  	p1 =	seq.s32 s10, $0x1;
	s10 =	sld [smem:$0x3FBA];
	_ =	sdelay $0x3  }
0x37: {  	[smem:$0x3FBA] =	sst s10  }
0x38: {  	s10 =	sld [smem:$0x3FBB]  }
0x39: {  	_ = 	snop;
	(pc) =	sbr.ind lr, $3  }
0x3a: {  	_ = 	snop  }
0x3b: {  	_ = 	snop  }
0x3c: {  	p2 =	seq.s32 s10, $0x1;
	s10 =	sld [smem:$0x3FBA]  }
0x3d: {  	_ =	shalt  }
0x3e: {  	_ =	shalt  }
0x3f: {  	_ =	shalt  }
0x40: {  	_ =	shalt  }
0x41: {  	_ =	shalt  }
0x42: {  	_ =	shalt  }
0x43: {  	_ =	shalt  }
0x44: {  	_ =	shalt  }
0x45: {  	_ =	shalt  }
0x46: {  	_ =	shalt  }
0x47: {  	_ =	shalt  }
0x48: {  	_ =	shalt  }
0x49: {  	_ =	shalt  }
0x4a: {  	_ =	shalt  }
0x4b: {  	_ =	shalt  }
0x4c: {  	_ =	shalt  }
0x4d: {  	_ =	shalt  }
0x4e: {  	_ =	shalt  }
0x4f: {  	_ =	shalt  }
0x50: {  	_ =	shalt  }
0x51: {  	_ =	shalt  }
0x52: {  	_ =	shalt  }
0x53: {  	_ =	shalt  }
0x54: {  	_ =	shalt  }
0x55: {  	_ =	shalt  }
0x56: {  	_ =	shalt  }
0x57: {  	_ =	shalt  }
0x58: {  	_ =	shalt  }
0x59: {  	_ =	shalt  }
0x5a: {  	_ =	shalt  }
0x5b: {  	_ =	shalt  }
0x5c: {  	_ =	shalt  }
0x5d: {  	_ =	shalt  }
0x5e: {  	_ =	shalt  }
0x5f: {  	_ =	shalt  }
0x60: {  	_ =	shalt  }
0x61: {  	_ =	shalt  }
0x62: {  	_ =	shalt  }
0x63: {  	_ =	shalt  }
0x64: {  	_ =	shalt  }
0x65: {  	_ =	shalt  }
0x66: {  	_ =	shalt  }
0x67: {  	_ =	shalt  }
0x68: {  	_ =	shalt  }
0x69: {  	_ =	shalt  }
0x6a: {  	_ =	shalt  }
0x6b: {  	_ =	shalt  }
0x6c: {  	_ =	shalt  }
0x6d: {  	_ =	shalt  }
0x6e: {  	_ =	shalt  }
0x6f: {  	_ =	shalt  }
0x70: {  	_ =	shalt  }
0x71: {  	_ =	shalt  }
0x72: {  	_ =	shalt  }
0x73: {  	_ =	shalt  }
0x74: {  	_ =	shalt  }
0x75: {  	_ =	shalt  }
0x76: {  	_ =	shalt  }
0x77: {  	_ =	shalt  }
0x78: {  	_ =	shalt  }
0x79: {  	_ =	shalt  }
0x7a: {  	_ =	shalt  }
0x7b: {  	_ =	shalt  }
0x7c: {  	_ =	shalt  }
0x7d: {  	_ =	shalt  }
0x7e: {  	_ =	shalt  }
0x7f: {  	_ =	shalt  }
0x80: {  	_ =	shalt  }
0x81: {  	_ =	shalt  }
0x82: {  	_ =	shalt  }
0x83: {  	_ =	shalt  }
0x84: {  	_ =	shalt  }
0x85: {  	_ =	shalt  }
0x86: {  	_ =	shalt  }
0x87: {  	_ =	shalt  }
.Lfunc_end0:
.L_simem_size_0:
called_computation_lowered:
.L_overlay_start_0:
0x88: {  	s2 =	sld [smem:$0x3FD9]  }
0x89: {  	s3 =	sld [smem:$0x3FFE];
	_ =	sdelay $0x1  }
0x8a: {  	s1 =	srdreg.scid  }
0x8b: {  	s0 =	sand.u32 $0x1, s1  }
0x8c: {  	s14 =	sshll.u32 s0, $0xA;
	s2 =	sadd.s32 s3, s2  }
0x8d: {  	s2 =	sadd.s32 s2, s14  }
0x8e: {  	[smem:$0x3FC6] =	sst s2  }
0x8f: {  	_ = 	snop  }
0x90: {  	s2 =	sld [smem:$0x3FD0];
	_ =	sdelay $0x2  }
0x91: {  	s4 =	simm.s32 $0xA;
	s5 =	simm.s32 $0x10;
	s15 =	sld [smem:$0x3FC8]  }
0x92: {  	[smem:s5], [sflag:s4] =	dma.local [hbm:s2], $0x1  }
0x93: {  	_ =	swait.eq [sflag:s4], $0x1  }
0x94: {  	[sflag:s4] =	ssyncset.done $0x0  }
0x95: {  	s16 =	sld [smem:$0x10];
	[sflag:s4] =	ssyncadd.s32 $0xFFFFFFFF  }
0x96: {  	s17 =	sld [smem:$0x13];
	(tm) =	ssettm $0x1  }
0x97: {  	s18 =	sld [smem:$0x3FFB];
	_ =	sdelay $0x3  }
0x98: {  	_ =	strace s18  }
0x99: {  	s5 =	sld [smem:$0x3FFC];
	_ =	sdelay $0x3  }
0x9a: {  	_ =	strace s5  }
0x9b: {  	s5 =	sld [smem:$0x3FFD];
	_ =	sdelay $0x3  }
0x9c: {  	_ =	strace s5  }
0x9d: {  	_ =	strace $0x8FFFFFFF  }
0x9e: {  	s19 =	sld [smem:$0x3FDB];
	_ =	sdelay $0x1  }
0x9f: {  	s6 =	simm.s32 $_scs_section_size  }
0xa0: {  	s7 =	simm.s32 $_size__tile_overlayer_lowered;
	s8 =	simm.s32 $_tile_overlayer_lowered  }
0xa1: {  	s22 =	simm.s32 $0x1BFF;
	s21 =	sshll.u32 s8, $0x1;
	s5 =	sadd.s32 s6, s19  }
0xa2: {  	s9 =	simm.s32 $0x0;
	s20 =	sshll.u32 s7, $0x1;
	s7 =	sadd.s32 s21, s5  }
0xa3: {  	[timem:s9], [sflag:s22] =	dma.local [hbm:s7], s20  }
0xa4: {  	_ =	swait.ge [sflag:s22], s20  }
0xa5: {  	s6 =	ssub.s32 $0x0, s20;
	[sflag:s22] =	ssyncset.done $0x0  }
0xa6: {  	[sflag:s22] =	ssyncadd.s32 s6;
	_ =	sdelay $0x1  }
0xa7: {  	s23 =	simm.s32 $0x1B8B  }
0xa8: {  	_ =	swait.ge [sflag:s23], $0x1  }
0xa9: {  	[sflag:s23] =	ssyncset.done $0x0  }
0xaa: {  	s25 =	simm.s32 $0x1B8E;
	s24 =	sld [smem:$0x3FFE];
	[sflag:s23] =	ssyncadd.s32 $0xFFFFFFFF  }
0xab: {  	s26 =	simm.s32 $execute0_lowered;
	[smem:$0x3FD2] =	sst s25  }
0xac: {  	s7 =	sshll.u32 s26, $0x1;
	_ =	strace $0x80000046;
	[dreg:$0x1] =	wrdreg $0xFFFFFFFF  }
0xad: {  	s28 =	simm.s32 $_size_execute0_lowered;
	s5 =	sadd.s32 s5, s7;
	[dreg:$0x0] =	wrdreg $0x0  }
0xae: {  	s7 =	sshll.u32 s28, $0x1;
	[dreg:$0x2] =	wrdreg s5  }
0xaf: {  	[dreg:$0x3] =	wrdreg s7  }
0xb0: {  	[dreg:$0x4] =	wrdreg $0xC0  }
0xb1: {  	_ =	task [dreg:s9], $0x5FFFF  }
0xb2: {  	[dreg:$0x1] =	wrdreg $0xFFFFFFFF  }
0xb3: {  	[dreg:$0x0] =	wrdreg $0x60  }
0xb4: {  	[dreg:$0x2] =	wrdreg s17  }
0xb5: {  	[dreg:$0x3] =	wrdreg s15  }
0xb6: {  	[dreg:$0x4] =	wrdreg s16  }
0xb7: {  	[dreg:$0x5] =	wrdreg s24  }
0xb8: {  	[dreg:$0x6] =	wrdreg $0x9  }
0xb9: {  	_ =	task.clear_ibuf [dreg:s9], $0x7FFFF;
	_ =	strace $0x90000046  }
0xba: {  	s29 =	simm.s32 $0x9;
	_ =	strace $0x80000048  }
0xbb: {  	_ =	swait.ge [sflag:s29], $0x1  }
0xbc: {  	[sflag:s29] =	ssyncadd.s32 $0xFFFFFFFF  }
0xbd: {  	_ =	strace $0x90000048  }
0xbe: {  	_ =	sfence  }
0xbf: {  	s30 =	sld [smem:$0x0];
	_ =	sdelay $0x2  }
0xc0: {  	s31 =	sshll.u32 s1, $0xD;
	s1 =	sshrl.u32 s1, $0x2  }
0xc1: {  	s3 =	sand.u32 $0x4000, s31;
	s1 =	sadd.s32 s1, s30  }
0xc2: {  	s0 =	sor.u32 s3, s0;
	s1 =	sshll.u32 s1, $0x11  }
0xc3: {  	s0 =	sor.u32 s1, s0  }
0xc4: {  	s0 =	sadd.s32 $0x8F2B, s0  }
0xc5: {  	[sflag:s0] =	ssyncadd.remote.s32 $0x1  }
0xc6: {  	_ =	sfence.sel $0xFFFF  }
0xc7: {  	[dreg:$0x0] =	wrdreg $0xFFFFFFFF;
	(pc) =	sbr.abs _section_cstart, $3  }
0xc8: {  	[dreg:$0x1] =	wrdreg $0xFFFFFFFF  }
0xc9: {  	_ =	task.clear_ibuf [dreg:s9], $0x2FFFF;
	_ =	strace $0x9FFFFFFF  }
0xca: {  	(tm) =	ssettm $0x7FFFFFFF  }
0xcb: {  	_ =	shalt  }
tec
execute0_lowered:
.L_overlay_start_1:
0x0: {  	(tag) =	ssettag $0x1  }
0x1: {  	s0 =	rddreg [dreg:$0x0]  }
0x2: {  	s1 =	rddreg [dreg:$0x1]  }
0x3: {  	s2 =	srdreg.scid;
	s5 =	rddreg [dreg:$0x2]  }
0x4: {  	s3 =	stileid.u32;
	s6 =	rddreg [dreg:$0x3]  }
0x5: {  	s25 =	simm.s32 $0x1;
	s28 =	simm.s32 $0x8900;
	s29 =	simm.s32 $0x9100  }
0x6: {  	s30 =	simm.s32 $0x9900;
	s31 =	simm.s32 $0xA100;
	s10 =	simm.s32 $0xB900  }
0x7: {  	s11 =	simm.s32 $0xC100;
	s12 =	simm.s32 $0xC900;
	s13 =	simm.s32 $0xD100  }
0x8: {  	s14 =	simm.s32 $0xD900;
	s15 =	simm.s32 $0xE100;
	s16 =	simm.s32 $0xE900  }
0x9: {  	s17 =	simm.s32 $0xF100;
	s18 =	simm.s32 $0xF900;
	s19 =	simm.s32 $0x10100  }
0xa: {  	s20 =	simm.s32 $0x80;
	s2 =	sand.u32 $0x1, s2;
	s3 =	sshll.u32 s3, $0x1  }
0xb: {  	v2 =	vlaneseq.u32;
	vm0 =	vmmov $0xffff;
	s21 =	simm.s32 $0x400;
	s22 =	simm.s32 $0x0;
	s4 =	sor.u32 s2, s3  }
0xc: {  	v3 =	vimm.s32 $0x0;
	v4 =	vimm.s32 $0x1;
	vm1 =	vcmask $0x704;
	s3 =	simm.s32 $0x0;
	s2 =	ssub.s32 $0x2, s2;
	s7 =	sshll.u32 s4, $0xD  }
0xd: {  	vm2 =	vcmask $0xB08;
	vm3 =	vcmask $0xF0C;
	vm4 =	vcmask $0x1310;
	s8 =	sshll.u32 s4, $0x7;
	[smem:$0x7FF] =	sst s3;
	s9 =	sshrl.u32 s2, $0x1  }
0xe: {  	vm5 =	vcmask $0x1714;
	vm6 =	vcmask $0x1B18;
	vm15 =	vcmask $0x3F3C;
	s4 =	sshll.u32 s4, $0x5;
	s8 =	sor.u32 s8, s7;
	_ =	strace $0x80000047  }
0xf: {  	vm7 =	vcmask $0x1F1C;
	vm8 =	vcmask $0x2320;
	vm9 =	vcmask $0x2724;
	s2 =	ssub.s32 s2, s9;
	s4 =	sadd.s32 s0, s4;
	s8 =	sand.u32 $0x30380, s8  }
0x10: {  	vm10 =	vcmask $0x2B28;
	vm11 =	vcmask $0x2F2C;
	vm12 =	vcmask $0x3330;
	s5 =	sadd.s32 s5, s7;
	s9 =	simm.s32 $0x100;
	s8 =	sshrl.u32 s8, $0x3  }
0x11: {  	vm13 =	vcmask $0x3734;
	vm14 =	vcmask $0x3B38;
	v1 =	vshrl.u32 v2, $0x3;
	s0 =	simm.s32 $0xB100;
	s7 =	smax.u32 s2, $0x1;
	s6 =	sadd.s32 s8, s6  }
0x12: {  	v0 =	vand.u32 $0x7, v2;
	v2 =	vor.u32 $0x8, v2;
	v1 =	vmul.u32 $0x8, v1;
	s2 =	simm.s32 $0xA900;
	s8 =	simm.s32 $0x2;
	s6 =	sadd.s32 $0x400, s6  }
.LBB2_1:
0x13: {  	[tilespmem:s3], [sflag:$0x2] =	stream.linear.gather [hbm4b:s4+s3], $0x100, $0x38;
	[tilespmem:$0x12100] =	vst v63  }
0x14: {  	_ =	swait.ge [sflag:s8], $0x100  }
0x15: {  	[sflag:s8] =	ssyncset.done $0x0  }
0x16: {  	[sflag:s8] =	ssyncadd.s32 $0xFFFFFF00  }
0x17: {  	v5 =	vld [tilespmem:$0x0];
	_ =	sdelay $0x4  }
0x18: {  	v6 =	vshll.u32 v5, $0x1  }
0x19: {  	v5 =	vand.u32 $0x7, v5;
	v6 =	vand.u32 $0xFFFFFFF0, v6  }
0x1a: {  	v5 =	vor.u32 v5, v6  }
0x1b: {  	v6 =	vperm.xlane v5, v0;
	_ =	sdelay $0x1  }
0x1c: {  	v5 =	vperm.xlane v5, v2;
	v6 =	vadd.s32 v1, v6;
	_ =	sdelay $0x1  }
0x1d: {  	v5 =	vadd.s32 v1, v5;
	_ =	sdelay $0x2  }
0x1e: {  	[tilespmem:s9], [sflag:$0x1] =	stream.indirect_vreg.gather [hbm4b:s1+s3], $0x80, v6, vm0, $0xb8;
	[tilespmem:$0x12100] =	vst v63  }
0x1f: {  	s23 =	simm.s32 $0x900  }
0x20: {  	[tilespmem:s23], [sflag:$0x1] =	stream.indirect_vreg.gather [hbm4b:s1+s3], $0x80, v5, vm0, $0xb8;
	[tilespmem:$0x12100] =	vst v63  }
0x21: {  	v5 =	vld [tilespmem:$0x10];
	_ =	sdelay $0x4  }
0x22: {  	v6 =	vshll.u32 v5, $0x1  }
0x23: {  	v5 =	vand.u32 $0x7, v5;
	v6 =	vand.u32 $0xFFFFFFF0, v6  }
0x24: {  	v5 =	vor.u32 v5, v6  }
0x25: {  	v6 =	vperm.xlane v5, v0;
	_ =	sdelay $0x1  }
0x26: {  	v5 =	vperm.xlane v5, v2;
	v6 =	vadd.s32 v1, v6;
	_ =	sdelay $0x1  }
0x27: {  	v5 =	vadd.s32 v1, v5;
	_ =	sdelay $0x1  }
0x28: {  	s26 =	simm.s32 $0x1100  }
0x29: {  	[tilespmem:s26], [sflag:$0x1] =	stream.indirect_vreg.gather [hbm4b:s1+s3], $0x80, v6, vm0, $0xb8;
	[tilespmem:$0x12100] =	vst v63  }
0x2a: {  	s24 =	simm.s32 $0x1900  }
0x2b: {  	[tilespmem:s24], [sflag:$0x1] =	stream.indirect_vreg.gather [hbm4b:s1+s3], $0x80, v5, vm0, $0xb8;
	[tilespmem:$0x12100] =	vst v63  }
0x2c: {  	v5 =	vld [tilespmem:$0x20];
	_ =	sdelay $0x4  }
0x2d: {  	v6 =	vshll.u32 v5, $0x1  }
0x2e: {  	v5 =	vand.u32 $0x7, v5;
	v6 =	vand.u32 $0xFFFFFFF0, v6  }
0x2f: {  	v5 =	vor.u32 v5, v6  }
0x30: {  	v6 =	vperm.xlane v5, v0;
	_ =	sdelay $0x1  }
0x31: {  	v5 =	vperm.xlane v5, v2;
	v6 =	vadd.s32 v1, v6;
	_ =	sdelay $0x1  }
0x32: {  	v5 =	vadd.s32 v1, v5;
	_ =	sdelay $0x1  }
0x33: {  	s26 =	simm.s32 $0x2100  }
0x34: {  	[tilespmem:s26], [sflag:$0x1] =	stream.indirect_vreg.gather [hbm4b:s1+s3], $0x80, v6, vm0, $0xb8;
	[tilespmem:$0x12100] =	vst v63  }
0x35: {  	s24 =	simm.s32 $0x2900  }
0x36: {  	[tilespmem:s24], [sflag:$0x1] =	stream.indirect_vreg.gather [hbm4b:s1+s3], $0x80, v5, vm0, $0xb8;
	[tilespmem:$0x12100] =	vst v63  }
0x37: {  	v5 =	vld [tilespmem:$0x30];
	_ =	sdelay $0x4  }
0x38: {  	v6 =	vshll.u32 v5, $0x1  }
0x39: {  	v5 =	vand.u32 $0x7, v5;
	v6 =	vand.u32 $0xFFFFFFF0, v6  }
0x3a: {  	v5 =	vor.u32 v5, v6  }
0x3b: {  	v6 =	vperm.xlane v5, v0;
	_ =	sdelay $0x1  }
0x3c: {  	v5 =	vperm.xlane v5, v2;
	v6 =	vadd.s32 v1, v6;
	_ =	sdelay $0x1  }
0x3d: {  	v5 =	vadd.s32 v1, v5;
	_ =	sdelay $0x1  }
0x3e: {  	s26 =	simm.s32 $0x3100  }
0x3f: {  	[tilespmem:s26], [sflag:$0x1] =	stream.indirect_vreg.gather [hbm4b:s1+s3], $0x80, v6, vm0, $0xb8;
	[tilespmem:$0x12100] =	vst v63  }
0x40: {  	s24 =	simm.s32 $0x3900  }
0x41: {  	[tilespmem:s24], [sflag:$0x1] =	stream.indirect_vreg.gather [hbm4b:s1+s3], $0x80, v5, vm0, $0xb8;
	[tilespmem:$0x12100] =	vst v63  }
0x42: {  	v5 =	vld [tilespmem:$0x40];
	_ =	sdelay $0x4  }
0x43: {  	v6 =	vshll.u32 v5, $0x1  }
0x44: {  	v5 =	vand.u32 $0x7, v5;
	v6 =	vand.u32 $0xFFFFFFF0, v6  }
0x45: {  	v5 =	vor.u32 v5, v6  }
0x46: {  	v6 =	vperm.xlane v5, v0;
	_ =	sdelay $0x1  }
0x47: {  	v5 =	vperm.xlane v5, v2;
	v6 =	vadd.s32 v1, v6;
	_ =	sdelay $0x1  }
0x48: {  	v5 =	vadd.s32 v1, v5;
	_ =	sdelay $0x1  }
0x49: {  	s26 =	simm.s32 $0x4100  }
0x4a: {  	[tilespmem:s26], [sflag:$0x1] =	stream.indirect_vreg.gather [hbm4b:s1+s3], $0x80, v6, vm0, $0xb8;
	[tilespmem:$0x12100] =	vst v63  }
0x4b: {  	s24 =	simm.s32 $0x4900  }
0x4c: {  	[tilespmem:s24], [sflag:$0x1] =	stream.indirect_vreg.gather [hbm4b:s1+s3], $0x80, v5, vm0, $0xb8;
	[tilespmem:$0x12100] =	vst v63  }
0x4d: {  	v5 =	vld [tilespmem:$0x50];
	_ =	sdelay $0x4  }
0x4e: {  	v6 =	vshll.u32 v5, $0x1  }
0x4f: {  	v5 =	vand.u32 $0x7, v5;
	v6 =	vand.u32 $0xFFFFFFF0, v6  }
0x50: {  	v5 =	vor.u32 v5, v6  }
0x51: {  	v6 =	vperm.xlane v5, v0;
	_ =	sdelay $0x1  }
0x52: {  	v5 =	vperm.xlane v5, v2;
	v6 =	vadd.s32 v1, v6;
	_ =	sdelay $0x1  }
0x53: {  	v5 =	vadd.s32 v1, v5;
	_ =	sdelay $0x1  }
0x54: {  	s26 =	simm.s32 $0x5100  }
0x55: {  	[tilespmem:s26], [sflag:$0x1] =	stream.indirect_vreg.gather [hbm4b:s1+s3], $0x80, v6, vm0, $0xb8;
	[tilespmem:$0x12100] =	vst v63  }
0x56: {  	s24 =	simm.s32 $0x5900  }
0x57: {  	[tilespmem:s24], [sflag:$0x1] =	stream.indirect_vreg.gather [hbm4b:s1+s3], $0x80, v5, vm0, $0xb8;
	[tilespmem:$0x12100] =	vst v63  }
0x58: {  	v5 =	vld [tilespmem:$0x60];
	_ =	sdelay $0x4  }
0x59: {  	v6 =	vshll.u32 v5, $0x1  }
0x5a: {  	v5 =	vand.u32 $0x7, v5;
	v6 =	vand.u32 $0xFFFFFFF0, v6  }
0x5b: {  	v5 =	vor.u32 v5, v6  }
0x5c: {  	v6 =	vperm.xlane v5, v0;
	_ =	sdelay $0x1  }
0x5d: {  	v5 =	vperm.xlane v5, v2;
	v6 =	vadd.s32 v1, v6;
	_ =	sdelay $0x1  }
0x5e: {  	v5 =	vadd.s32 v1, v5;
	_ =	sdelay $0x1  }
0x5f: {  	s26 =	simm.s32 $0x6100  }
0x60: {  	[tilespmem:s26], [sflag:$0x1] =	stream.indirect_vreg.gather [hbm4b:s1+s3], $0x80, v6, vm0, $0xb8;
	[tilespmem:$0x12100] =	vst v63  }
0x61: {  	s24 =	simm.s32 $0x6900  }
0x62: {  	[tilespmem:s24], [sflag:$0x1] =	stream.indirect_vreg.gather [hbm4b:s1+s3], $0x80, v5, vm0, $0xb8;
	[tilespmem:$0x12100] =	vst v63  }
0x63: {  	v5 =	vld [tilespmem:$0x70];
	_ =	sdelay $0x4  }
0x64: {  	v6 =	vshll.u32 v5, $0x1  }
0x65: {  	v5 =	vand.u32 $0x7, v5;
	v6 =	vand.u32 $0xFFFFFFF0, v6  }
0x66: {  	v5 =	vor.u32 v5, v6  }
0x67: {  	v6 =	vperm.xlane v5, v0;
	_ =	sdelay $0x1  }
0x68: {  	v5 =	vperm.xlane v5, v2;
	v6 =	vadd.s32 v1, v6;
	_ =	sdelay $0x1  }
0x69: {  	v5 =	vadd.s32 v1, v5;
	_ =	sdelay $0x1  }
0x6a: {  	s26 =	simm.s32 $0x7100  }
0x6b: {  	[tilespmem:s26], [sflag:$0x1] =	stream.indirect_vreg.gather [hbm4b:s1+s3], $0x80, v6, vm0, $0xb8;
	[tilespmem:$0x12100] =	vst v63  }
0x6c: {  	s24 =	simm.s32 $0x7900  }
0x6d: {  	[tilespmem:s24], [sflag:$0x1] =	stream.indirect_vreg.gather [hbm4b:s1+s3], $0x80, v5, vm0, $0xb8;
	[tilespmem:$0x12100] =	vst v63  }
0x6e: {  	_ =	swait.ge [sflag:s25], $0x8000  }
0x6f: {  	[sflag:s25] =	ssyncset.done $0x0  }
0x70: {  	[sflag:s25] =	ssyncadd.s32 $0xFFFF8000  }
0x71: {  	v5 =	vld [tilespmem:$0x80];
	_ =	sdelay $0x4  }
0x72: {  	v6 =	vshll.u32 v5, $0x1  }
0x73: {  	v5 =	vand.u32 $0x7, v5;
	v6 =	vand.u32 $0xFFFFFFF0, v6  }
0x74: {  	v5 =	vor.u32 v5, v6  }
0x75: {  	v6 =	vperm.xlane v5, v0;
	_ =	sdelay $0x1  }
0x76: {  	v5 =	vperm.xlane v5, v2;
	v6 =	vadd.s32 v1, v6;
	_ =	sdelay $0x1  }
0x77: {  	v5 =	vadd.s32 v1, v5;
	_ =	sdelay $0x1  }
0x78: {  	s26 =	simm.s32 $0x8100  }
0x79: {  	[tilespmem:s26], [sflag:$0x1] =	stream.indirect_vreg.gather [hbm4b:s1+s3], $0x80, v6, vm0, $0xb8;
	[tilespmem:$0x12100] =	vst v63  }
0x7a: {  	_ = 	snop  }
0x7b: {  	[tilespmem:s28], [sflag:$0x1] =	stream.indirect_vreg.gather [hbm4b:s1+s3], $0x80, v5, vm0, $0xb8;
	[tilespmem:$0x12100] =	vst v63  }
0x7c: {  	v5 =	vld [tilespmem:$0x90];
	_ =	sdelay $0x4  }
0x7d: {  	v6 =	vshll.u32 v5, $0x1  }
0x7e: {  	v5 =	vand.u32 $0x7, v5;
	v6 =	vand.u32 $0xFFFFFFF0, v6  }
0x7f: {  	v5 =	vor.u32 v5, v6  }
0x80: {  	v6 =	vperm.xlane v5, v0;
	_ =	sdelay $0x1  }
0x81: {  	v5 =	vperm.xlane v5, v2;
	v6 =	vadd.s32 v1, v6;
	_ =	sdelay $0x1  }
0x82: {  	v5 =	vadd.s32 v1, v5;
	_ =	sdelay $0x2  }
0x83: {  	[tilespmem:s29], [sflag:$0x1] =	stream.indirect_vreg.gather [hbm4b:s1+s3], $0x80, v6, vm0, $0xb8;
	[tilespmem:$0x12100] =	vst v63  }
0x84: {  	_ = 	snop  }
0x85: {  	[tilespmem:s30], [sflag:$0x1] =	stream.indirect_vreg.gather [hbm4b:s1+s3], $0x80, v5, vm0, $0xb8;
	[tilespmem:$0x12100] =	vst v63  }
0x86: {  	v5 =	vld [tilespmem:$0xA0];
	_ =	sdelay $0x4  }
0x87: {  	v6 =	vshll.u32 v5, $0x1  }
0x88: {  	v5 =	vand.u32 $0x7, v5;
	v6 =	vand.u32 $0xFFFFFFF0, v6  }
0x89: {  	v5 =	vor.u32 v5, v6  }
0x8a: {  	v6 =	vperm.xlane v5, v0;
	_ =	sdelay $0x1  }
0x8b: {  	v5 =	vperm.xlane v5, v2;
	v6 =	vadd.s32 v1, v6;
	_ =	sdelay $0x1  }
0x8c: {  	v5 =	vadd.s32 v1, v5;
	_ =	sdelay $0x2  }
0x8d: {  	[tilespmem:s31], [sflag:$0x1] =	stream.indirect_vreg.gather [hbm4b:s1+s3], $0x80, v6, vm0, $0xb8;
	[tilespmem:$0x12100] =	vst v63  }
0x8e: {  	_ = 	snop  }
0x8f: {  	[tilespmem:s2], [sflag:$0x1] =	stream.indirect_vreg.gather [hbm4b:s1+s3], $0x80, v5, vm0, $0xb8;
	[tilespmem:$0x12100] =	vst v63  }
0x90: {  	v5 =	vld [tilespmem:$0xB0];
	_ =	sdelay $0x4  }
0x91: {  	v6 =	vshll.u32 v5, $0x1  }
0x92: {  	v5 =	vand.u32 $0x7, v5;
	v6 =	vand.u32 $0xFFFFFFF0, v6  }
0x93: {  	v5 =	vor.u32 v5, v6  }
0x94: {  	v6 =	vperm.xlane v5, v0;
	_ =	sdelay $0x1  }
0x95: {  	v5 =	vperm.xlane v5, v2;
	v6 =	vadd.s32 v1, v6;
	_ =	sdelay $0x1  }
0x96: {  	v5 =	vadd.s32 v1, v5;
	_ =	sdelay $0x2  }
0x97: {  	[tilespmem:s0], [sflag:$0x1] =	stream.indirect_vreg.gather [hbm4b:s1+s3], $0x80, v6, vm0, $0xb8;
	[tilespmem:$0x12100] =	vst v63  }
0x98: {  	_ = 	snop  }
0x99: {  	[tilespmem:s10], [sflag:$0x1] =	stream.indirect_vreg.gather [hbm4b:s1+s3], $0x80, v5, vm0, $0xb8;
	[tilespmem:$0x12100] =	vst v63  }
0x9a: {  	v5 =	vld [tilespmem:$0xC0];
	_ =	sdelay $0x4  }
0x9b: {  	v6 =	vshll.u32 v5, $0x1  }
0x9c: {  	v5 =	vand.u32 $0x7, v5;
	v6 =	vand.u32 $0xFFFFFFF0, v6  }
0x9d: {  	v5 =	vor.u32 v5, v6  }
0x9e: {  	v6 =	vperm.xlane v5, v0;
	_ =	sdelay $0x1  }
0x9f: {  	v5 =	vperm.xlane v5, v2;
	v6 =	vadd.s32 v1, v6;
	_ =	sdelay $0x1  }
0xa0: {  	v5 =	vadd.s32 v1, v5;
	_ =	sdelay $0x2  }
0xa1: {  	[tilespmem:s11], [sflag:$0x1] =	stream.indirect_vreg.gather [hbm4b:s1+s3], $0x80, v6, vm0, $0xb8;
	[tilespmem:$0x12100] =	vst v63  }
0xa2: {  	_ = 	snop  }
0xa3: {  	[tilespmem:s12], [sflag:$0x1] =	stream.indirect_vreg.gather [hbm4b:s1+s3], $0x80, v5, vm0, $0xb8;
	[tilespmem:$0x12100] =	vst v63  }
0xa4: {  	v5 =	vld [tilespmem:$0xD0];
	_ =	sdelay $0x4  }
0xa5: {  	v6 =	vshll.u32 v5, $0x1  }
0xa6: {  	v5 =	vand.u32 $0x7, v5;
	v6 =	vand.u32 $0xFFFFFFF0, v6  }
0xa7: {  	v5 =	vor.u32 v5, v6  }
0xa8: {  	v6 =	vperm.xlane v5, v0;
	_ =	sdelay $0x1  }
0xa9: {  	v5 =	vperm.xlane v5, v2;
	v6 =	vadd.s32 v1, v6;
	_ =	sdelay $0x1  }
0xaa: {  	v5 =	vadd.s32 v1, v5;
	_ =	sdelay $0x2  }
0xab: {  	[tilespmem:s13], [sflag:$0x1] =	stream.indirect_vreg.gather [hbm4b:s1+s3], $0x80, v6, vm0, $0xb8;
	[tilespmem:$0x12100] =	vst v63  }
0xac: {  	_ = 	snop  }
0xad: {  	[tilespmem:s14], [sflag:$0x1] =	stream.indirect_vreg.gather [hbm4b:s1+s3], $0x80, v5, vm0, $0xb8;
	[tilespmem:$0x12100] =	vst v63  }
0xae: {  	v5 =	vld [tilespmem:$0xE0];
	_ =	sdelay $0x4  }
0xaf: {  	v6 =	vshll.u32 v5, $0x1  }
0xb0: {  	v5 =	vand.u32 $0x7, v5;
	v6 =	vand.u32 $0xFFFFFFF0, v6  }
0xb1: {  	v5 =	vor.u32 v5, v6  }
0xb2: {  	v6 =	vperm.xlane v5, v0;
	_ =	sdelay $0x1  }
0xb3: {  	v5 =	vperm.xlane v5, v2;
	v6 =	vadd.s32 v1, v6;
	_ =	sdelay $0x1  }
0xb4: {  	v5 =	vadd.s32 v1, v5;
	_ =	sdelay $0x2  }
0xb5: {  	[tilespmem:s15], [sflag:$0x1] =	stream.indirect_vreg.gather [hbm4b:s1+s3], $0x80, v6, vm0, $0xb8;
	[tilespmem:$0x12100] =	vst v63  }
0xb6: {  	_ = 	snop  }
0xb7: {  	[tilespmem:s16], [sflag:$0x1] =	stream.indirect_vreg.gather [hbm4b:s1+s3], $0x80, v5, vm0, $0xb8;
	[tilespmem:$0x12100] =	vst v63  }
0xb8: {  	v5 =	vld [tilespmem:$0xF0];
	_ =	sdelay $0x4  }
0xb9: {  	v6 =	vshll.u32 v5, $0x1  }
0xba: {  	v5 =	vand.u32 $0x7, v5;
	v6 =	vand.u32 $0xFFFFFFF0, v6  }
0xbb: {  	v5 =	vor.u32 v5, v6  }
0xbc: {  	v6 =	vperm.xlane v5, v0;
	_ =	sdelay $0x1  }
0xbd: {  	v5 =	vperm.xlane v5, v2;
	v6 =	vadd.s32 v1, v6;
	_ =	sdelay $0x1  }
0xbe: {  	v5 =	vadd.s32 v1, v5;
	_ =	sdelay $0x2  }
0xbf: {  	[tilespmem:s17], [sflag:$0x1] =	stream.indirect_vreg.gather [hbm4b:s1+s3], $0x80, v6, vm0, $0xb8;
	[tilespmem:$0x12100] =	vst v63  }
0xc0: {  	_ = 	snop  }
0xc1: {  	[tilespmem:s18], [sflag:$0x1] =	stream.indirect_vreg.gather [hbm4b:s1+s3], $0x80, v5, vm0, $0xb8;
	[tilespmem:$0x12100] =	vst v63  }
0xc2: {  	_ =	swait.ge [sflag:s25], $0x8000  }
0xc3: {  	[sflag:s25] =	ssyncset.done $0x0  }
0xc4: {  	[sflag:s25] =	ssyncadd.s32 $0xFFFF8000  }
0xc5: {  	[hbm4b:s5+s3] =	stream.linear.scatter [tilespmem:s9], [sflag:$0x2], $0x10000, $0x38;
	[tilespmem:$0x12100] =	vst v63  }
0xc6: {  	_ =	swait.ge [sflag:s8], $0x10000  }
0xc7: {  	[sflag:s8] =	ssyncset.done $0x0  }
0xc8: {  	s23 =	simm.s32 $0x0;
	[sflag:s8] =	ssyncadd.s32 $0xFFFF0000  }
.LBB2_2:
0xc9: {  	p0 =	sne.s32 s23, $0x7FC0  }
.Ltmp0:
0xca: {  	_ = 	snop;
	(pc) =	sbr.rel @p0 .LBB2_2-.Ltmp0, $3  }
0xcb: {  	_ =	sdelay $0x1  }
0xcc: {  	s24 =	sshra.s32 s23, $0x2  }
0xcd: {  	s23 =	sadd.s32 $0x40, s23;
	[tilespmem:s24+$0x10100] =	vst v3  }
0xce: {  	s23 =	simm.s32 $0x0  }
0xcf: {  	v5 =	vld [tilespmem:s23+$0x0];
	_ =	sdelay $0x7  }
0xd0: {  	[tilespmem:v5+s19+$0x0] =	vst.idx.add.s32.msk $0x1, v4  }
0xd1: {  	[tilespmem:v5+s19+$0x0] =	vst.idx.add.s32.msk vm1, v4  }
0xd2: {  	[tilespmem:v5+s19+$0x0] =	vst.idx.add.s32.msk vm2, v4  }
0xd3: {  	[tilespmem:v5+s19+$0x0] =	vst.idx.add.s32.msk vm3, v4  }
0xd4: {  	[tilespmem:v5+s19+$0x0] =	vst.idx.add.s32.msk vm4, v4  }
0xd5: {  	[tilespmem:v5+s19+$0x0] =	vst.idx.add.s32.msk vm5, v4  }
0xd6: {  	[tilespmem:v5+s19+$0x0] =	vst.idx.add.s32.msk vm6, v4  }
0xd7: {  	[tilespmem:v5+s19+$0x0] =	vst.idx.add.s32.msk vm7, v4  }
0xd8: {  	[tilespmem:v5+s19+$0x0] =	vst.idx.add.s32.msk vm8, v4  }
0xd9: {  	[tilespmem:v5+s19+$0x0] =	vst.idx.add.s32.msk vm9, v4  }
0xda: {  	[tilespmem:v5+s19+$0x0] =	vst.idx.add.s32.msk vm10, v4  }
0xdb: {  	[tilespmem:v5+s19+$0x0] =	vst.idx.add.s32.msk vm11, v4  }
0xdc: {  	[tilespmem:v5+s19+$0x0] =	vst.idx.add.s32.msk vm12, v4  }
0xdd: {  	[tilespmem:v5+s19+$0x0] =	vst.idx.add.s32.msk vm13, v4  }
0xde: {  	s24 =	simm.s32 $0x80;
	s23 =	simm.s32 $0x40;
	[tilespmem:v5+s19+$0x0] =	vst.idx.add.s32.msk vm14, v4  }
.LBB2_4:
0xdf: {  	p0 =	sne.s32 s24, $0x3C0  }
0xe0: {  	s26 =	sshra.s32 s23, $0x2;
	[tilespmem:v5+s19+$0x0] =	vst.idx.add.s32.msk vm15, v4;
	s23 =	smov.u32 s24;
	s24 =	sadd.s32 $0x40, s24  }
0xe1: {  	v5 =	vld [tilespmem:s26+$0x0];
	_ =	sdelay $0x7  }
0xe2: {  	[tilespmem:v5+s19+$0x0] =	vst.idx.add.s32.msk $0x1, v4  }
0xe3: {  	[tilespmem:v5+s19+$0x0] =	vst.idx.add.s32.msk vm1, v4  }
0xe4: {  	[tilespmem:v5+s19+$0x0] =	vst.idx.add.s32.msk vm2, v4  }
0xe5: {  	[tilespmem:v5+s19+$0x0] =	vst.idx.add.s32.msk vm3, v4  }
0xe6: {  	[tilespmem:v5+s19+$0x0] =	vst.idx.add.s32.msk vm4, v4  }
0xe7: {  	[tilespmem:v5+s19+$0x0] =	vst.idx.add.s32.msk vm5, v4  }
0xe8: {  	[tilespmem:v5+s19+$0x0] =	vst.idx.add.s32.msk vm6, v4  }
0xe9: {  	[tilespmem:v5+s19+$0x0] =	vst.idx.add.s32.msk vm7, v4  }
0xea: {  	[tilespmem:v5+s19+$0x0] =	vst.idx.add.s32.msk vm8, v4  }
0xeb: {  	[tilespmem:v5+s19+$0x0] =	vst.idx.add.s32.msk vm9, v4  }
.Ltmp1:
0xec: {  	[tilespmem:v5+s19+$0x0] =	vst.idx.add.s32.msk vm10, v4;
	(pc) =	sbr.rel @p0 .LBB2_4-.Ltmp1, $4  }
0xed: {  	[tilespmem:v5+s19+$0x0] =	vst.idx.add.s32.msk vm11, v4  }
0xee: {  	[tilespmem:v5+s19+$0x0] =	vst.idx.add.s32.msk vm12, v4  }
0xef: {  	[tilespmem:v5+s19+$0x0] =	vst.idx.add.s32.msk vm13, v4  }
0xf0: {  	[tilespmem:v5+s19+$0x0] =	vst.idx.add.s32.msk vm14, v4  }
0xf1: {  	_ =	sdelay $0x4  }
0xf2: {  	s23 =	sshra.s32 s23, $0x2;
	[tilespmem:v5+s19+$0x0] =	vst.idx.add.s32.msk vm15, v4  }
0xf3: {  	v5 =	vld [tilespmem:s23+$0x0];
	_ =	sdelay $0x7  }
0xf4: {  	[tilespmem:v5+s19+$0x0] =	vst.idx.add.s32.msk $0x1, v4  }
0xf5: {  	[tilespmem:v5+s19+$0x0] =	vst.idx.add.s32.msk vm1, v4  }
0xf6: {  	[tilespmem:v5+s19+$0x0] =	vst.idx.add.s32.msk vm2, v4  }
0xf7: {  	[tilespmem:v5+s19+$0x0] =	vst.idx.add.s32.msk vm3, v4  }
0xf8: {  	[tilespmem:v5+s19+$0x0] =	vst.idx.add.s32.msk vm4, v4  }
0xf9: {  	[tilespmem:v5+s19+$0x0] =	vst.idx.add.s32.msk vm5, v4  }
0xfa: {  	[tilespmem:v5+s19+$0x0] =	vst.idx.add.s32.msk vm6, v4  }
0xfb: {  	[tilespmem:v5+s19+$0x0] =	vst.idx.add.s32.msk vm7, v4  }
0xfc: {  	[tilespmem:v5+s19+$0x0] =	vst.idx.add.s32.msk vm8, v4  }
0xfd: {  	[tilespmem:v5+s19+$0x0] =	vst.idx.add.s32.msk vm9, v4  }
0xfe: {  	[tilespmem:v5+s19+$0x0] =	vst.idx.add.s32.msk vm10, v4  }
0xff: {  	[tilespmem:v5+s19+$0x0] =	vst.idx.add.s32.msk vm11, v4  }
0x100: {  	[tilespmem:v5+s19+$0x0] =	vst.idx.add.s32.msk vm12, v4  }
0x101: {  	s22 =	sadd.s32 $0x1, s22;
	[tilespmem:v5+s19+$0x0] =	vst.idx.add.s32.msk vm13, v4  }
0x102: {  	p0 =	sne.s32 s22, s7;
	[tilespmem:v5+s19+$0x0] =	vst.idx.add.s32.msk vm14, v4  }
.Ltmp2:
0x103: {  	[tilespmem:v5+s19+$0x0] =	vst.idx.add.s32.msk vm15, v4;
	(pc) =	sbr.rel @p0 .LBB2_1-.Ltmp2, $4  }
0x104: {  	[hbm4b:s6+s20] =	stream.strided.scatter [tilespmem:s19], [sflag:$0x2], $0x2000, s21, s20, $0x38;
	[tilespmem:$0x12100] =	vst v63  }
0x105: {  	_ =	swait.ge [sflag:s8], $0x2000  }
0x106: {  	[sflag:s8] =	ssyncset.done $0x0  }
0x107: {  	[sflag:s8] =	ssyncadd.s32 $0xFFFFE000  }
0x108: {  	_ =	sfence.sel $0x180000  }
0x109: {  	[bflag:$0x0] =	sbarrier.arrive $0xFFFF  }
0x10a: {  	_ =	strace $0x90000047  }
0x10b: {  	s0 =	stileid.u32;
	[bflag:$0x2] =	sbarrier.arrive $0xFFFF  }
0x10c: {  	p0 =	sne.s32 s0, $0x0;
	s0 =	rddreg [dreg:$0x4]  }
0x10d: {  	s0 =	sadd.s32 @!p0 $0x100000, s0  }
0x10e: {  	[sflag:s0] =	ssyncadd.tile.s32 @!p0 $0x1;
	_ =	shalt  }
.Lfunc_end2:
_tile_overlayer_lowered:
.L_overlay_start_2:
0x10f: {  	(tag) =	ssettag $0x2  }
0x110: {  	s0 =	rddreg [dreg:$0x0];
	s2 =	stileid.u32  }
0x111: {  	s1 =	rddreg [dreg:$0x1];
	p0 =	sne.s32 s2, $0x0  }
0x112: {  	s3 =	rddreg [dreg:$0x2];
	[bflag:$0x3] =	sbarrier.arrive $0xFFFF;
	s2 =	simm.s32 @!p0 $0x1C02  }
0x113: {  	[timem:s3], [sflag:s2] =	dma.local @!p0 [hbm:s0], s1  }
0x114: {  	s0 =	simm.s32 @!p0 $0x2  }
0x115: {  	_ =	swait.ge @!p0 [sflag:s0], s1  }
0x116: {  	s1 =	ssub.s32 @!p0 $0x0, s1;
	[sflag:s0] =	ssyncset.done @!p0 $0x0  }
0x117: {  	[sflag:s0] =	ssyncadd.s32 @!p0 s1  }
0x118: {  	[bflag:$0x3] =	sbarrier.arrive $0xFFFF  }
0x119: {  	_ =	shalt  }

</sc_bundles>
